<compile_context>
chip_gen: v7x
topology: tpu7x:2x2x1
jax: 0.10.2.dev20260603
libtpu: 0.0.44.dev20260713+nightly
codegen_flags: <defaults>
</compile_context>

<pallas_src>
import jax
import jax.numpy as jnp
from jax import lax
from jax.experimental import pallas as pl
from jax.experimental.pallas import tpu as pltpu
from jax.experimental.pallas import tpu_sc as plsc

M = 64
S = 12
R = 3
D = 1024
T = M * R * S
B = 4

TRIPLES_PER_TILE = 8
TILE_T = TRIPLES_PER_TILE * R * S

NC, NS = 2, 16
NW = NC * NS
TPW = (B * T) // NW


def _tc_body(x_ref, wt_ref, wr_ref, wk_ref, lat_ref):
    x = x_ref[...]
    wt = wt_ref[...]
    wr = wr_ref[...]
    wk = wk_ref[...]
    p36 = (jnp.repeat(wr, S, axis=0) + jnp.tile(wk, (R, 1)))
    pos = (wt[:, None, :] + p36[None, :, :]).reshape(TILE_T, D)
    lat_ref[...] = x + pos[None]


CPR = 48
NCHUNK = TPW // CPR


def _sc_copy_body(x_hbm, cp_hbm, buf0, buf1, is0, is1, os0, os1):
    cid = lax.axis_index("c")
    sid = lax.axis_index("s")
    wid = sid * NC + cid
    b = wid // 8
    t0 = (wid % 8) * TPW

    bufs = (buf0, buf1)
    isems = (is0, is1)
    osems = (os0, os1)

    def in_cp(j):
        return pltpu.make_async_copy(
            x_hbm.at[b, pl.ds(t0 + j * CPR, CPR)], bufs[j % 2], isems[j % 2])

    def out_cp(j):
        return pltpu.make_async_copy(
            bufs[j % 2], cp_hbm.at[b, pl.ds(t0 + j * CPR, CPR)], osems[j % 2])

    in_cp(0).start()
    for j in range(NCHUNK):
        in_cp(j).wait()
        out_cp(j).start()
        if j + 1 < NCHUNK:
            if j >= 1:
                out_cp(j - 1).wait()
            in_cp(j + 1).start()
    out_cp(NCHUNK - 2).wait()
    out_cp(NCHUNK - 1).wait()


def kernel(token_embeds, pad_mask, W_triple, W_role, W_tokpos):
    out_sds = jax.ShapeDtypeStruct((B, T, D), token_embeds.dtype)

    latent = pl.pallas_call(
        _tc_body,
        grid=(T // TILE_T,),
        in_specs=[
            pl.BlockSpec((B, TILE_T, D), lambda t: (0, t, 0)),
            pl.BlockSpec((TRIPLES_PER_TILE, D), lambda t: (t, 0)),
            pl.BlockSpec((R, D), lambda t: (0, 0)),
            pl.BlockSpec((S, D), lambda t: (0, 0)),
        ],
        out_specs=pl.BlockSpec((B, TILE_T, D), lambda t: (0, t, 0)),
        out_shape=out_sds,
    )(token_embeds, W_triple, W_role, W_tokpos)

    copy = pl.kernel(
        _sc_copy_body,
        out_type=out_sds,
        mesh=plsc.VectorSubcoreMesh(core_axis_name="c", subcore_axis_name="s"),
        scratch_types=[
            pltpu.VMEM((CPR, D), jnp.float32),
            pltpu.VMEM((CPR, D), jnp.float32),
            pltpu.SemaphoreType.DMA,
            pltpu.SemaphoreType.DMA,
            pltpu.SemaphoreType.DMA,
            pltpu.SemaphoreType.DMA,
        ],
    )(token_embeds)

    return (latent, copy)

# --- scband reference (transcript-rebuilt; emitter-appended) ---
"""Pipeline reference for scband-token-encoder-3539053052619 (READ-ONLY COPY).

The authoritative reference and input builder live on the scoring server;
editing this copy changes nothing except your own understanding.
"""

import jax, jax.numpy as jnp
import numpy as np

M = 64   # max_triples
S = 12   # max_tokens_per_slot
D = 1024 # d_model
B = 4
T = M * 3 * S  # 2304


def setup_inputs(seed: int = 0) -> dict:
    key = jax.random.key(seed)
    k1, k2, k3, k4 = jax.random.split(key, 4)
    token_embeds = jax.random.normal(k1, (B, T, D), dtype=jnp.float32)
    pad_mask = jnp.zeros((B, T), dtype=bool)
    # learned embedding tables (per init_kwargs: max_triples=64, d_model=1024, max_tokens_per_slot=12)
    W_triple = jax.random.normal(k2, (M, D), dtype=jnp.float32) * 0.02
    W_role = jax.random.normal(k3, (3, D), dtype=jnp.float32) * 0.02
    W_tokpos = jax.random.normal(k4, (S, D), dtype=jnp.float32) * 0.02
    return {
        "token_embeds": token_embeds,
        "pad_mask": pad_mask,
        "W_triple": W_triple,
        "W_role": W_role,
        "W_tokpos": W_tokpos,
    }


def reference(token_embeds, pad_mask, W_triple, W_role, W_tokpos):
    # triple_idx = arange(M).repeat_interleave(3*S)
    triple_idx = jnp.repeat(jnp.arange(M), 3 * S)
    # role_idx = arange(3).repeat_interleave(S).repeat(M)
    role_idx = jnp.tile(jnp.repeat(jnp.arange(3), S), M)
    # token_idx = arange(S).repeat(M*3)
    token_idx = jnp.tile(jnp.arange(S), M * 3)
    # embedding lookups (gather) + sum, then broadcast over batch
    pos_enc = (jnp.take(W_triple, triple_idx, axis=0)
               + jnp.take(W_role, role_idx, axis=0)
               + jnp.take(W_tokpos, token_idx, axis=0))[None, :, :]
    latent = token_embeds + pos_enc
    return (latent, token_embeds)

if __name__ == "__main__":
    import jax
    _d = setup_inputs()
    print(jax.jit(kernel)(*tuple(_d.values())))

</pallas_src>

<mosaic_0001>
#map = affine_map<(d0, d1) -> (0, 0, 0)>
module attributes {stable_mosaic.version = 14 : i64} {
  func.func @_sc_copy_body(%arg0: i32, %arg1: i32, %arg2: memref<4x2304x1024xf32, #tpu.memory_space<hbm>>, %arg3: memref<4x2304x1024xf32, #tpu.memory_space<hbm>>, %arg4: memref<48x1024xf32, #tpu.memory_space<vmem>>, %arg5: memref<48x1024xf32, #tpu.memory_space<vmem>>, %arg6: memref<!tpu.dma_semaphore, #tpu.memory_space<semaphore_mem>>, %arg7: memref<!tpu.dma_semaphore, #tpu.memory_space<semaphore_mem>>, %arg8: memref<!tpu.dma_semaphore, #tpu.memory_space<semaphore_mem>>, %arg9: memref<!tpu.dma_semaphore, #tpu.memory_space<semaphore_mem>>) attributes {dimension_semantics = [#tpu.dimension_semantics<core_parallel>, #tpu.dimension_semantics<subcore_parallel>], iteration_bounds = array<i64: 2, 16>, scalar_prefetch = 0 : i64, scratch_operands = 6 : i64, tpu.core_type = #tpu.core_type<sc_vector_subcore>, window_params = [{transform_indices = #map}, {transform_indices = #map}]} {
    %mul3A = arith.constant 2 : i32
    %mul3A_0 = arith.muli %arg1, %mul3A : i32
    %add3A = arith.addi %mul3A_0, %arg0 : i32
    %jit3A = arith.constant 8 : i32
    %div3A = arith.divsi %add3A, %jit3A : i32
    %sign3A = arith.constant 0 : i32
    %sign3A_1 = arith.cmpi sgt, %add3A, %sign3A : i32
    %sign3A_2 = arith.extui %sign3A_1 : i1 to i32
    %sign3A_3 = arith.constant 0 : i32
    %sign3A_4 = arith.cmpi slt, %add3A, %sign3A_3 : i32
    %sign3A_5 = arith.extui %sign3A_4 : i1 to i32
    %sign3A_6 = arith.subi %sign3A_2, %sign3A_5 : i32
    %sign3A_7 = arith.constant 0 : i32
    %sign3A_8 = arith.cmpi sgt, %jit3A, %sign3A_7 : i32
    %sign3A_9 = arith.extui %sign3A_8 : i1 to i32
    %sign3A_10 = arith.constant 0 : i32
    %sign3A_11 = arith.cmpi slt, %jit3A, %sign3A_10 : i32
    %sign3A_12 = arith.extui %sign3A_11 : i1 to i32
    %sign3A_13 = arith.subi %sign3A_9, %sign3A_12 : i32
    %ne3A = arith.cmpi ne, %sign3A_6, %sign3A_13 : i32
    %rem3A = arith.remsi %add3A, %jit3A : i32
    %ne3A_14 = arith.constant 0 : i32
    %ne3A_15 = arith.cmpi ne, %rem3A, %ne3A_14 : i32
    %and3A = arith.andi %ne3A, %ne3A_15 : i1
    %sub3A = arith.constant 1 : i32
    %sub3A_16 = arith.subi %div3A, %sub3A : i32
    %select_n3A = arith.select %and3A, %sub3A_16, %div3A : i32
    %jit3A_17 = arith.constant 8 : i32
    %eq3A = arith.constant 0 : i32
    %eq3A_18 = arith.cmpi eq, %jit3A_17, %eq3A : i32
    %jit3A_19 = arith.constant 1 : i32
    %select_n3A_20 = arith.select %eq3A_18, %jit3A_19, %jit3A_17 : i32
    %rem3A_21 = arith.remsi %add3A, %select_n3A_20 : i32
    %ne3A_22 = arith.constant 0 : i32
    %ne3A_23 = arith.cmpi ne, %rem3A_21, %ne3A_22 : i32
    %lt3A = arith.constant 0 : i32
    %lt3A_24 = arith.cmpi slt, %rem3A_21, %lt3A : i32
    %lt3A_25 = arith.constant 0 : i32
    %lt3A_26 = arith.cmpi slt, %select_n3A_20, %lt3A_25 : i32
    %ne3A_27 = arith.xori %lt3A_24, %lt3A_26 : i1
    %and3A_28 = arith.andi %ne3A_27, %ne3A_23 : i1
    %add3A_29 = arith.addi %rem3A_21, %select_n3A_20 : i32
    %select_n3A_30 = arith.select %and3A_28, %add3A_29, %rem3A_21 : i32
    %mul3A_31 = arith.constant 288 : i32
    %mul3A_32 = arith.muli %select_n3A_30, %mul3A_31 : i32
    %add3A_33 = arith.constant 0 : i32
    %add3A_34 = arith.addi %mul3A_32, %add3A_33 : i32
    %dma_start3A = arith.constant 0 : i32
    %dma_start3A_35 = tpu.memref_slice %arg2[%select_n3A, %add3A_34, %dma_start3A] : memref<4x2304x1024xf32, #tpu.memory_space<hbm>> -> memref<1x48x1024xf32, #tpu.memory_space<hbm>>
    %dma_start3A_36 = tpu.memref_squeeze %dma_start3A_35 : memref<1x48x1024xf32, #tpu.memory_space<hbm>> -> memref<48x1024xf32, #tpu.memory_space<hbm>>
    %dma_start3A_37 = arith.constant 0 : i32
    %dma_start3A_38 = tpu.memref_slice %arg2[%select_n3A, %add3A_34, %dma_start3A_37] : memref<4x2304x1024xf32, #tpu.memory_space<hbm>> -> memref<1x48x1024xf32, #tpu.memory_space<hbm>>
    %dma_start3A_39 = tpu.memref_squeeze %dma_start3A_38 : memref<1x48x1024xf32, #tpu.memory_space<hbm>> -> memref<48x1024xf32, #tpu.memory_space<hbm>>
    tpu.enqueue_dma source(%dma_start3A_39 : memref<48x1024xf32, #tpu.memory_space<hbm>>) target(%arg4 : memref<48x1024xf32, #tpu.memory_space<vmem>>) target_semaphore(%arg6 : memref<!tpu.dma_semaphore, #tpu.memory_space<semaphore_mem>>)
    %add3A_40 = arith.constant 0 : i32
    %add3A_41 = arith.addi %mul3A_32, %add3A_40 : i32
    %dma_wait3A = arith.constant 0 : i32
    %dma_wait3A_42 = tpu.memref_slice %arg2[%select_n3A, %add3A_41, %dma_wait3A] : memref<4x2304x1024xf32, #tpu.memory_space<hbm>> -> memref<1x48x1024xf32, #tpu.memory_space<hbm>>
    %dma_wait3A_43 = tpu.memref_squeeze %dma_wait3A_42 : memref<1x48x1024xf32, #tpu.memory_space<hbm>> -> memref<48x1024xf32, #tpu.memory_space<hbm>>
    %dma_wait3A_44 = arith.constant 0 : i32
    %dma_wait3A_45 = tpu.memref_slice %arg2[%select_n3A, %add3A_41, %dma_wait3A_44] : memref<4x2304x1024xf32, #tpu.memory_space<hbm>> -> memref<1x48x1024xf32, #tpu.memory_space<hbm>>
    %dma_wait3A_46 = tpu.memref_squeeze %dma_wait3A_45 : memref<1x48x1024xf32, #tpu.memory_space<hbm>> -> memref<48x1024xf32, #tpu.memory_space<hbm>>
    tpu.wait_dma2 semaphore(%arg6 : memref<!tpu.dma_semaphore, #tpu.memory_space<semaphore_mem>>) src(%dma_wait3A_46 : memref<48x1024xf32, #tpu.memory_space<hbm>>) dst(%arg4 : memref<48x1024xf32, #tpu.memory_space<vmem>>)
    %add3A_47 = arith.constant 0 : i32
    %add3A_48 = arith.addi %mul3A_32, %add3A_47 : i32
    %dma_start3A_49 = arith.constant 0 : i32
    %dma_start3A_50 = tpu.memref_slice %arg3[%select_n3A, %add3A_48, %dma_start3A_49] : memref<4x2304x1024xf32, #tpu.memory_space<hbm>> -> memref<1x48x1024xf32, #tpu.memory_space<hbm>>
    %dma_start3A_51 = tpu.memref_squeeze %dma_start3A_50 : memref<1x48x1024xf32, #tpu.memory_space<hbm>> -> memref<48x1024xf32, #tpu.memory_space<hbm>>
    %dma_start3A_52 = arith.constant 0 : i32
    %dma_start3A_53 = tpu.memref_slice %arg3[%select_n3A, %add3A_48, %dma_start3A_52] : memref<4x2304x1024xf32, #tpu.memory_space<hbm>> -> memref<1x48x1024xf32, #tpu.memory_space<hbm>>
    %dma_start3A_54 = tpu.memref_squeeze %dma_start3A_53 : memref<1x48x1024xf32, #tpu.memory_space<hbm>> -> memref<48x1024xf32, #tpu.memory_space<hbm>>
    tpu.enqueue_dma source(%arg4 : memref<48x1024xf32, #tpu.memory_space<vmem>>) target(%dma_start3A_54 : memref<48x1024xf32, #tpu.memory_space<hbm>>) target_semaphore(%arg8 : memref<!tpu.dma_semaphore, #tpu.memory_space<semaphore_mem>>)
    %add3A_55 = arith.constant 48 : i32
    %add3A_56 = arith.addi %mul3A_32, %add3A_55 : i32
    %dma_start3A_57 = arith.constant 0 : i32
    %dma_start3A_58 = tpu.memref_slice %arg2[%select_n3A, %add3A_56, %dma_start3A_57] : memref<4x2304x1024xf32, #tpu.memory_space<hbm>> -> memref<1x48x1024xf32, #tpu.memory_space<hbm>>
    %dma_start3A_59 = tpu.memref_squeeze %dma_start3A_58 : memref<1x48x1024xf32, #tpu.memory_space<hbm>> -> memref<48x1024xf32, #tpu.memory_space<hbm>>
    %dma_start3A_60 = arith.constant 0 : i32
    %dma_start3A_61 = tpu.memref_slice %arg2[%select_n3A, %add3A_56, %dma_start3A_60] : memref<4x2304x1024xf32, #tpu.memory_space<hbm>> -> memref<1x48x1024xf32, #tpu.memory_space<hbm>>
    %dma_start3A_62 = tpu.memref_squeeze %dma_start3A_61 : memref<1x48x1024xf32, #tpu.memory_space<hbm>> -> memref<48x1024xf32, #tpu.memory_space<hbm>>
    tpu.enqueue_dma source(%dma_start3A_62 : memref<48x1024xf32, #tpu.memory_space<hbm>>) target(%arg5 : memref<48x1024xf32, #tpu.memory_space<vmem>>) target_semaphore(%arg7 : memref<!tpu.dma_semaphore, #tpu.memory_space<semaphore_mem>>)
    %add3A_63 = arith.constant 48 : i32
    %add3A_64 = arith.addi %mul3A_32, %add3A_63 : i32
    %dma_wait3A_65 = arith.constant 0 : i32
    %dma_wait3A_66 = tpu.memref_slice %arg2[%select_n3A, %add3A_64, %dma_wait3A_65] : memref<4x2304x1024xf32, #tpu.memory_space<hbm>> -> memref<1x48x1024xf32, #tpu.memory_space<hbm>>
    %dma_wait3A_67 = tpu.memref_squeeze %dma_wait3A_66 : memref<1x48x1024xf32, #tpu.memory_space<hbm>> -> memref<48x1024xf32, #tpu.memory_space<hbm>>
    %dma_wait3A_68 = arith.constant 0 : i32
    %dma_wait3A_69 = tpu.memref_slice %arg2[%select_n3A, %add3A_64, %dma_wait3A_68] : memref<4x2304x1024xf32, #tpu.memory_space<hbm>> -> memref<1x48x1024xf32, #tpu.memory_space<hbm>>
    %dma_wait3A_70 = tpu.memref_squeeze %dma_wait3A_69 : memref<1x48x1024xf32, #tpu.memory_space<hbm>> -> memref<48x1024xf32, #tpu.memory_space<hbm>>
    tpu.wait_dma2 semaphore(%arg7 : memref<!tpu.dma_semaphore, #tpu.memory_space<semaphore_mem>>) src(%dma_wait3A_70 : memref<48x1024xf32, #tpu.memory_space<hbm>>) dst(%arg5 : memref<48x1024xf32, #tpu.memory_space<vmem>>)
    %add3A_71 = arith.constant 48 : i32
    %add3A_72 = arith.addi %mul3A_32, %add3A_71 : i32
    %dma_start3A_73 = arith.constant 0 : i32
    %dma_start3A_74 = tpu.memref_slice %arg3[%select_n3A, %add3A_72, %dma_start3A_73] : memref<4x2304x1024xf32, #tpu.memory_space<hbm>> -> memref<1x48x1024xf32, #tpu.memory_space<hbm>>
    %dma_start3A_75 = tpu.memref_squeeze %dma_start3A_74 : memref<1x48x1024xf32, #tpu.memory_space<hbm>> -> memref<48x1024xf32, #tpu.memory_space<hbm>>
    %dma_start3A_76 = arith.constant 0 : i32
    %dma_start3A_77 = tpu.memref_slice %arg3[%select_n3A, %add3A_72, %dma_start3A_76] : memref<4x2304x1024xf32, #tpu.memory_space<hbm>> -> memref<1x48x1024xf32, #tpu.memory_space<hbm>>
    %dma_start3A_78 = tpu.memref_squeeze %dma_start3A_77 : memref<1x48x1024xf32, #tpu.memory_space<hbm>> -> memref<48x1024xf32, #tpu.memory_space<hbm>>
    tpu.enqueue_dma source(%arg5 : memref<48x1024xf32, #tpu.memory_space<vmem>>) target(%dma_start3A_78 : memref<48x1024xf32, #tpu.memory_space<hbm>>) target_semaphore(%arg9 : memref<!tpu.dma_semaphore, #tpu.memory_space<semaphore_mem>>)
    %add3A_79 = arith.constant 0 : i32
    %add3A_80 = arith.addi %mul3A_32, %add3A_79 : i32
    %dma_wait3A_81 = arith.constant 0 : i32
    %dma_wait3A_82 = tpu.memref_slice %arg3[%select_n3A, %add3A_80, %dma_wait3A_81] : memref<4x2304x1024xf32, #tpu.memory_space<hbm>> -> memref<1x48x1024xf32, #tpu.memory_space<hbm>>
    %dma_wait3A_83 = tpu.memref_squeeze %dma_wait3A_82 : memref<1x48x1024xf32, #tpu.memory_space<hbm>> -> memref<48x1024xf32, #tpu.memory_space<hbm>>
    %dma_wait3A_84 = arith.constant 0 : i32
    %dma_wait3A_85 = tpu.memref_slice %arg3[%select_n3A, %add3A_80, %dma_wait3A_84] : memref<4x2304x1024xf32, #tpu.memory_space<hbm>> -> memref<1x48x1024xf32, #tpu.memory_space<hbm>>
    %dma_wait3A_86 = tpu.memref_squeeze %dma_wait3A_85 : memref<1x48x1024xf32, #tpu.memory_space<hbm>> -> memref<48x1024xf32, #tpu.memory_space<hbm>>
    tpu.wait_dma2 semaphore(%arg8 : memref<!tpu.dma_semaphore, #tpu.memory_space<semaphore_mem>>) src(%arg4 : memref<48x1024xf32, #tpu.memory_space<vmem>>) dst(%dma_wait3A_86 : memref<48x1024xf32, #tpu.memory_space<hbm>>)
    %add3A_87 = arith.constant 96 : i32
    %add3A_88 = arith.addi %mul3A_32, %add3A_87 : i32
    %dma_start3A_89 = arith.constant 0 : i32
    %dma_start3A_90 = tpu.memref_slice %arg2[%select_n3A, %add3A_88, %dma_start3A_89] : memref<4x2304x1024xf32, #tpu.memory_space<hbm>> -> memref<1x48x1024xf32, #tpu.memory_space<hbm>>
    %dma_start3A_91 = tpu.memref_squeeze %dma_start3A_90 : memref<1x48x1024xf32, #tpu.memory_space<hbm>> -> memref<48x1024xf32, #tpu.memory_space<hbm>>
    %dma_start3A_92 = arith.constant 0 : i32
    %dma_start3A_93 = tpu.memref_slice %arg2[%select_n3A, %add3A_88, %dma_start3A_92] : memref<4x2304x1024xf32, #tpu.memory_space<hbm>> -> memref<1x48x1024xf32, #tpu.memory_space<hbm>>
    %dma_start3A_94 = tpu.memref_squeeze %dma_start3A_93 : memref<1x48x1024xf32, #tpu.memory_space<hbm>> -> memref<48x1024xf32, #tpu.memory_space<hbm>>
    tpu.enqueue_dma source(%dma_start3A_94 : memref<48x1024xf32, #tpu.memory_space<hbm>>) target(%arg4 : memref<48x1024xf32, #tpu.memory_space<vmem>>) target_semaphore(%arg6 : memref<!tpu.dma_semaphore, #tpu.memory_space<semaphore_mem>>)
    %add3A_95 = arith.constant 96 : i32
    %add3A_96 = arith.addi %mul3A_32, %add3A_95 : i32
    %dma_wait3A_97 = arith.constant 0 : i32
    %dma_wait3A_98 = tpu.memref_slice %arg2[%select_n3A, %add3A_96, %dma_wait3A_97] : memref<4x2304x1024xf32, #tpu.memory_space<hbm>> -> memref<1x48x1024xf32, #tpu.memory_space<hbm>>
    %dma_wait3A_99 = tpu.memref_squeeze %dma_wait3A_98 : memref<1x48x1024xf32, #tpu.memory_space<hbm>> -> memref<48x1024xf32, #tpu.memory_space<hbm>>
    %dma_wait3A_100 = arith.constant 0 : i32
    %dma_wait3A_101 = tpu.memref_slice %arg2[%select_n3A, %add3A_96, %dma_wait3A_100] : memref<4x2304x1024xf32, #tpu.memory_space<hbm>> -> memref<1x48x1024xf32, #tpu.memory_space<hbm>>
    %dma_wait3A_102 = tpu.memref_squeeze %dma_wait3A_101 : memref<1x48x1024xf32, #tpu.memory_space<hbm>> -> memref<48x1024xf32, #tpu.memory_space<hbm>>
    tpu.wait_dma2 semaphore(%arg6 : memref<!tpu.dma_semaphore, #tpu.memory_space<semaphore_mem>>) src(%dma_wait3A_102 : memref<48x1024xf32, #tpu.memory_space<hbm>>) dst(%arg4 : memref<48x1024xf32, #tpu.memory_space<vmem>>)
    %add3A_103 = arith.constant 96 : i32
    %add3A_104 = arith.addi %mul3A_32, %add3A_103 : i32
    %dma_start3A_105 = arith.constant 0 : i32
    %dma_start3A_106 = tpu.memref_slice %arg3[%select_n3A, %add3A_104, %dma_start3A_105] : memref<4x2304x1024xf32, #tpu.memory_space<hbm>> -> memref<1x48x1024xf32, #tpu.memory_space<hbm>>
    %dma_start3A_107 = tpu.memref_squeeze %dma_start3A_106 : memref<1x48x1024xf32, #tpu.memory_space<hbm>> -> memref<48x1024xf32, #tpu.memory_space<hbm>>
    %dma_start3A_108 = arith.constant 0 : i32
    %dma_start3A_109 = tpu.memref_slice %arg3[%select_n3A, %add3A_104, %dma_start3A_108] : memref<4x2304x1024xf32, #tpu.memory_space<hbm>> -> memref<1x48x1024xf32, #tpu.memory_space<hbm>>
    %dma_start3A_110 = tpu.memref_squeeze %dma_start3A_109 : memref<1x48x1024xf32, #tpu.memory_space<hbm>> -> memref<48x1024xf32, #tpu.memory_space<hbm>>
    tpu.enqueue_dma source(%arg4 : memref<48x1024xf32, #tpu.memory_space<vmem>>) target(%dma_start3A_110 : memref<48x1024xf32, #tpu.memory_space<hbm>>) target_semaphore(%arg8 : memref<!tpu.dma_semaphore, #tpu.memory_space<semaphore_mem>>)
    %add3A_111 = arith.constant 48 : i32
    %add3A_112 = arith.addi %mul3A_32, %add3A_111 : i32
    %dma_wait3A_113 = arith.constant 0 : i32
    %dma_wait3A_114 = tpu.memref_slice %arg3[%select_n3A, %add3A_112, %dma_wait3A_113] : memref<4x2304x1024xf32, #tpu.memory_space<hbm>> -> memref<1x48x1024xf32, #tpu.memory_space<hbm>>
    %dma_wait3A_115 = tpu.memref_squeeze %dma_wait3A_114 : memref<1x48x1024xf32, #tpu.memory_space<hbm>> -> memref<48x1024xf32, #tpu.memory_space<hbm>>
    %dma_wait3A_116 = arith.constant 0 : i32
    %dma_wait3A_117 = tpu.memref_slice %arg3[%select_n3A, %add3A_112, %dma_wait3A_116] : memref<4x2304x1024xf32, #tpu.memory_space<hbm>> -> memref<1x48x1024xf32, #tpu.memory_space<hbm>>
    %dma_wait3A_118 = tpu.memref_squeeze %dma_wait3A_117 : memref<1x48x1024xf32, #tpu.memory_space<hbm>> -> memref<48x1024xf32, #tpu.memory_space<hbm>>
    tpu.wait_dma2 semaphore(%arg9 : memref<!tpu.dma_semaphore, #tpu.memory_space<semaphore_mem>>) src(%arg5 : memref<48x1024xf32, #tpu.memory_space<vmem>>) dst(%dma_wait3A_118 : memref<48x1024xf32, #tpu.memory_space<hbm>>)
    %add3A_119 = arith.constant 144 : i32
    %add3A_120 = arith.addi %mul3A_32, %add3A_119 : i32
    %dma_start3A_121 = arith.constant 0 : i32
    %dma_start3A_122 = tpu.memref_slice %arg2[%select_n3A, %add3A_120, %dma_start3A_121] : memref<4x2304x1024xf32, #tpu.memory_space<hbm>> -> memref<1x48x1024xf32, #tpu.memory_space<hbm>>
    %dma_start3A_123 = tpu.memref_squeeze %dma_start3A_122 : memref<1x48x1024xf32, #tpu.memory_space<hbm>> -> memref<48x1024xf32, #tpu.memory_space<hbm>>
    %dma_start3A_124 = arith.constant 0 : i32
    %dma_start3A_125 = tpu.memref_slice %arg2[%select_n3A, %add3A_120, %dma_start3A_124] : memref<4x2304x1024xf32, #tpu.memory_space<hbm>> -> memref<1x48x1024xf32, #tpu.memory_space<hbm>>
    %dma_start3A_126 = tpu.memref_squeeze %dma_start3A_125 : memref<1x48x1024xf32, #tpu.memory_space<hbm>> -> memref<48x1024xf32, #tpu.memory_space<hbm>>
    tpu.enqueue_dma source(%dma_start3A_126 : memref<48x1024xf32, #tpu.memory_space<hbm>>) target(%arg5 : memref<48x1024xf32, #tpu.memory_space<vmem>>) target_semaphore(%arg7 : memref<!tpu.dma_semaphore, #tpu.memory_space<semaphore_mem>>)
    %add3A_127 = arith.constant 144 : i32
    %add3A_128 = arith.addi %mul3A_32, %add3A_127 : i32
    %dma_wait3A_129 = arith.constant 0 : i32
    %dma_wait3A_130 = tpu.memref_slice %arg2[%select_n3A, %add3A_128, %dma_wait3A_129] : memref<4x2304x1024xf32, #tpu.memory_space<hbm>> -> memref<1x48x1024xf32, #tpu.memory_space<hbm>>
    %dma_wait3A_131 = tpu.memref_squeeze %dma_wait3A_130 : memref<1x48x1024xf32, #tpu.memory_space<hbm>> -> memref<48x1024xf32, #tpu.memory_space<hbm>>
    %dma_wait3A_132 = arith.constant 0 : i32
    %dma_wait3A_133 = tpu.memref_slice %arg2[%select_n3A, %add3A_128, %dma_wait3A_132] : memref<4x2304x1024xf32, #tpu.memory_space<hbm>> -> memref<1x48x1024xf32, #tpu.memory_space<hbm>>
    %dma_wait3A_134 = tpu.memref_squeeze %dma_wait3A_133 : memref<1x48x1024xf32, #tpu.memory_space<hbm>> -> memref<48x1024xf32, #tpu.memory_space<hbm>>
    tpu.wait_dma2 semaphore(%arg7 : memref<!tpu.dma_semaphore, #tpu.memory_space<semaphore_mem>>) src(%dma_wait3A_134 : memref<48x1024xf32, #tpu.memory_space<hbm>>) dst(%arg5 : memref<48x1024xf32, #tpu.memory_space<vmem>>)
    %add3A_135 = arith.constant 144 : i32
    %add3A_136 = arith.addi %mul3A_32, %add3A_135 : i32
    %dma_start3A_137 = arith.constant 0 : i32
    %dma_start3A_138 = tpu.memref_slice %arg3[%select_n3A, %add3A_136, %dma_start3A_137] : memref<4x2304x1024xf32, #tpu.memory_space<hbm>> -> memref<1x48x1024xf32, #tpu.memory_space<hbm>>
    %dma_start3A_139 = tpu.memref_squeeze %dma_start3A_138 : memref<1x48x1024xf32, #tpu.memory_space<hbm>> -> memref<48x1024xf32, #tpu.memory_space<hbm>>
    %dma_start3A_140 = arith.constant 0 : i32
    %dma_start3A_141 = tpu.memref_slice %arg3[%select_n3A, %add3A_136, %dma_start3A_140] : memref<4x2304x1024xf32, #tpu.memory_space<hbm>> -> memref<1x48x1024xf32, #tpu.memory_space<hbm>>
    %dma_start3A_142 = tpu.memref_squeeze %dma_start3A_141 : memref<1x48x1024xf32, #tpu.memory_space<hbm>> -> memref<48x1024xf32, #tpu.memory_space<hbm>>
    tpu.enqueue_dma source(%arg5 : memref<48x1024xf32, #tpu.memory_space<vmem>>) target(%dma_start3A_142 : memref<48x1024xf32, #tpu.memory_space<hbm>>) target_semaphore(%arg9 : memref<!tpu.dma_semaphore, #tpu.memory_space<semaphore_mem>>)
    %add3A_143 = arith.constant 96 : i32
    %add3A_144 = arith.addi %mul3A_32, %add3A_143 : i32
    %dma_wait3A_145 = arith.constant 0 : i32
    %dma_wait3A_146 = tpu.memref_slice %arg3[%select_n3A, %add3A_144, %dma_wait3A_145] : memref<4x2304x1024xf32, #tpu.memory_space<hbm>> -> memref<1x48x1024xf32, #tpu.memory_space<hbm>>
    %dma_wait3A_147 = tpu.memref_squeeze %dma_wait3A_146 : memref<1x48x1024xf32, #tpu.memory_space<hbm>> -> memref<48x1024xf32, #tpu.memory_space<hbm>>
    %dma_wait3A_148 = arith.constant 0 : i32
    %dma_wait3A_149 = tpu.memref_slice %arg3[%select_n3A, %add3A_144, %dma_wait3A_148] : memref<4x2304x1024xf32, #tpu.memory_space<hbm>> -> memref<1x48x1024xf32, #tpu.memory_space<hbm>>
    %dma_wait3A_150 = tpu.memref_squeeze %dma_wait3A_149 : memref<1x48x1024xf32, #tpu.memory_space<hbm>> -> memref<48x1024xf32, #tpu.memory_space<hbm>>
    tpu.wait_dma2 semaphore(%arg8 : memref<!tpu.dma_semaphore, #tpu.memory_space<semaphore_mem>>) src(%arg4 : memref<48x1024xf32, #tpu.memory_space<vmem>>) dst(%dma_wait3A_150 : memref<48x1024xf32, #tpu.memory_space<hbm>>)
    %add3A_151 = arith.constant 192 : i32
    %add3A_152 = arith.addi %mul3A_32, %add3A_151 : i32
    %dma_start3A_153 = arith.constant 0 : i32
    %dma_start3A_154 = tpu.memref_slice %arg2[%select_n3A, %add3A_152, %dma_start3A_153] : memref<4x2304x1024xf32, #tpu.memory_space<hbm>> -> memref<1x48x1024xf32, #tpu.memory_space<hbm>>
    %dma_start3A_155 = tpu.memref_squeeze %dma_start3A_154 : memref<1x48x1024xf32, #tpu.memory_space<hbm>> -> memref<48x1024xf32, #tpu.memory_space<hbm>>
    %dma_start3A_156 = arith.constant 0 : i32
    %dma_start3A_157 = tpu.memref_slice %arg2[%select_n3A, %add3A_152, %dma_start3A_156] : memref<4x2304x1024xf32, #tpu.memory_space<hbm>> -> memref<1x48x1024xf32, #tpu.memory_space<hbm>>
    %dma_start3A_158 = tpu.memref_squeeze %dma_start3A_157 : memref<1x48x1024xf32, #tpu.memory_space<hbm>> -> memref<48x1024xf32, #tpu.memory_space<hbm>>
    tpu.enqueue_dma source(%dma_start3A_158 : memref<48x1024xf32, #tpu.memory_space<hbm>>) target(%arg4 : memref<48x1024xf32, #tpu.memory_space<vmem>>) target_semaphore(%arg6 : memref<!tpu.dma_semaphore, #tpu.memory_space<semaphore_mem>>)
    %add3A_159 = arith.constant 192 : i32
    %add3A_160 = arith.addi %mul3A_32, %add3A_159 : i32
    %dma_wait3A_161 = arith.constant 0 : i32
    %dma_wait3A_162 = tpu.memref_slice %arg2[%select_n3A, %add3A_160, %dma_wait3A_161] : memref<4x2304x1024xf32, #tpu.memory_space<hbm>> -> memref<1x48x1024xf32, #tpu.memory_space<hbm>>
    %dma_wait3A_163 = tpu.memref_squeeze %dma_wait3A_162 : memref<1x48x1024xf32, #tpu.memory_space<hbm>> -> memref<48x1024xf32, #tpu.memory_space<hbm>>
    %dma_wait3A_164 = arith.constant 0 : i32
    %dma_wait3A_165 = tpu.memref_slice %arg2[%select_n3A, %add3A_160, %dma_wait3A_164] : memref<4x2304x1024xf32, #tpu.memory_space<hbm>> -> memref<1x48x1024xf32, #tpu.memory_space<hbm>>
    %dma_wait3A_166 = tpu.memref_squeeze %dma_wait3A_165 : memref<1x48x1024xf32, #tpu.memory_space<hbm>> -> memref<48x1024xf32, #tpu.memory_space<hbm>>
    tpu.wait_dma2 semaphore(%arg6 : memref<!tpu.dma_semaphore, #tpu.memory_space<semaphore_mem>>) src(%dma_wait3A_166 : memref<48x1024xf32, #tpu.memory_space<hbm>>) dst(%arg4 : memref<48x1024xf32, #tpu.memory_space<vmem>>)
    %add3A_167 = arith.constant 192 : i32
    %add3A_168 = arith.addi %mul3A_32, %add3A_167 : i32
    %dma_start3A_169 = arith.constant 0 : i32
    %dma_start3A_170 = tpu.memref_slice %arg3[%select_n3A, %add3A_168, %dma_start3A_169] : memref<4x2304x1024xf32, #tpu.memory_space<hbm>> -> memref<1x48x1024xf32, #tpu.memory_space<hbm>>
    %dma_start3A_171 = tpu.memref_squeeze %dma_start3A_170 : memref<1x48x1024xf32, #tpu.memory_space<hbm>> -> memref<48x1024xf32, #tpu.memory_space<hbm>>
    %dma_start3A_172 = arith.constant 0 : i32
    %dma_start3A_173 = tpu.memref_slice %arg3[%select_n3A, %add3A_168, %dma_start3A_172] : memref<4x2304x1024xf32, #tpu.memory_space<hbm>> -> memref<1x48x1024xf32, #tpu.memory_space<hbm>>
    %dma_start3A_174 = tpu.memref_squeeze %dma_start3A_173 : memref<1x48x1024xf32, #tpu.memory_space<hbm>> -> memref<48x1024xf32, #tpu.memory_space<hbm>>
    tpu.enqueue_dma source(%arg4 : memref<48x1024xf32, #tpu.memory_space<vmem>>) target(%dma_start3A_174 : memref<48x1024xf32, #tpu.memory_space<hbm>>) target_semaphore(%arg8 : memref<!tpu.dma_semaphore, #tpu.memory_space<semaphore_mem>>)
    %add3A_175 = arith.constant 144 : i32
    %add3A_176 = arith.addi %mul3A_32, %add3A_175 : i32
    %dma_wait3A_177 = arith.constant 0 : i32
    %dma_wait3A_178 = tpu.memref_slice %arg3[%select_n3A, %add3A_176, %dma_wait3A_177] : memref<4x2304x1024xf32, #tpu.memory_space<hbm>> -> memref<1x48x1024xf32, #tpu.memory_space<hbm>>
    %dma_wait3A_179 = tpu.memref_squeeze %dma_wait3A_178 : memref<1x48x1024xf32, #tpu.memory_space<hbm>> -> memref<48x1024xf32, #tpu.memory_space<hbm>>
    %dma_wait3A_180 = arith.constant 0 : i32
    %dma_wait3A_181 = tpu.memref_slice %arg3[%select_n3A, %add3A_176, %dma_wait3A_180] : memref<4x2304x1024xf32, #tpu.memory_space<hbm>> -> memref<1x48x1024xf32, #tpu.memory_space<hbm>>
    %dma_wait3A_182 = tpu.memref_squeeze %dma_wait3A_181 : memref<1x48x1024xf32, #tpu.memory_space<hbm>> -> memref<48x1024xf32, #tpu.memory_space<hbm>>
    tpu.wait_dma2 semaphore(%arg9 : memref<!tpu.dma_semaphore, #tpu.memory_space<semaphore_mem>>) src(%arg5 : memref<48x1024xf32, #tpu.memory_space<vmem>>) dst(%dma_wait3A_182 : memref<48x1024xf32, #tpu.memory_space<hbm>>)
    %add3A_183 = arith.constant 240 : i32
    %add3A_184 = arith.addi %mul3A_32, %add3A_183 : i32
    %dma_start3A_185 = arith.constant 0 : i32
    %dma_start3A_186 = tpu.memref_slice %arg2[%select_n3A, %add3A_184, %dma_start3A_185] : memref<4x2304x1024xf32, #tpu.memory_space<hbm>> -> memref<1x48x1024xf32, #tpu.memory_space<hbm>>
    %dma_start3A_187 = tpu.memref_squeeze %dma_start3A_186 : memref<1x48x1024xf32, #tpu.memory_space<hbm>> -> memref<48x1024xf32, #tpu.memory_space<hbm>>
    %dma_start3A_188 = arith.constant 0 : i32
    %dma_start3A_189 = tpu.memref_slice %arg2[%select_n3A, %add3A_184, %dma_start3A_188] : memref<4x2304x1024xf32, #tpu.memory_space<hbm>> -> memref<1x48x1024xf32, #tpu.memory_space<hbm>>
    %dma_start3A_190 = tpu.memref_squeeze %dma_start3A_189 : memref<1x48x1024xf32, #tpu.memory_space<hbm>> -> memref<48x1024xf32, #tpu.memory_space<hbm>>
    tpu.enqueue_dma source(%dma_start3A_190 : memref<48x1024xf32, #tpu.memory_space<hbm>>) target(%arg5 : memref<48x1024xf32, #tpu.memory_space<vmem>>) target_semaphore(%arg7 : memref<!tpu.dma_semaphore, #tpu.memory_space<semaphore_mem>>)
    %add3A_191 = arith.constant 240 : i32
    %add3A_192 = arith.addi %mul3A_32, %add3A_191 : i32
    %dma_wait3A_193 = arith.constant 0 : i32
    %dma_wait3A_194 = tpu.memref_slice %arg2[%select_n3A, %add3A_192, %dma_wait3A_193] : memref<4x2304x1024xf32, #tpu.memory_space<hbm>> -> memref<1x48x1024xf32, #tpu.memory_space<hbm>>
    %dma_wait3A_195 = tpu.memref_squeeze %dma_wait3A_194 : memref<1x48x1024xf32, #tpu.memory_space<hbm>> -> memref<48x1024xf32, #tpu.memory_space<hbm>>
    %dma_wait3A_196 = arith.constant 0 : i32
    %dma_wait3A_197 = tpu.memref_slice %arg2[%select_n3A, %add3A_192, %dma_wait3A_196] : memref<4x2304x1024xf32, #tpu.memory_space<hbm>> -> memref<1x48x1024xf32, #tpu.memory_space<hbm>>
    %dma_wait3A_198 = tpu.memref_squeeze %dma_wait3A_197 : memref<1x48x1024xf32, #tpu.memory_space<hbm>> -> memref<48x1024xf32, #tpu.memory_space<hbm>>
    tpu.wait_dma2 semaphore(%arg7 : memref<!tpu.dma_semaphore, #tpu.memory_space<semaphore_mem>>) src(%dma_wait3A_198 : memref<48x1024xf32, #tpu.memory_space<hbm>>) dst(%arg5 : memref<48x1024xf32, #tpu.memory_space<vmem>>)
    %add3A_199 = arith.constant 240 : i32
    %add3A_200 = arith.addi %mul3A_32, %add3A_199 : i32
    %dma_start3A_201 = arith.constant 0 : i32
    %dma_start3A_202 = tpu.memref_slice %arg3[%select_n3A, %add3A_200, %dma_start3A_201] : memref<4x2304x1024xf32, #tpu.memory_space<hbm>> -> memref<1x48x1024xf32, #tpu.memory_space<hbm>>
    %dma_start3A_203 = tpu.memref_squeeze %dma_start3A_202 : memref<1x48x1024xf32, #tpu.memory_space<hbm>> -> memref<48x1024xf32, #tpu.memory_space<hbm>>
    %dma_start3A_204 = arith.constant 0 : i32
    %dma_start3A_205 = tpu.memref_slice %arg3[%select_n3A, %add3A_200, %dma_start3A_204] : memref<4x2304x1024xf32, #tpu.memory_space<hbm>> -> memref<1x48x1024xf32, #tpu.memory_space<hbm>>
    %dma_start3A_206 = tpu.memref_squeeze %dma_start3A_205 : memref<1x48x1024xf32, #tpu.memory_space<hbm>> -> memref<48x1024xf32, #tpu.memory_space<hbm>>
    tpu.enqueue_dma source(%arg5 : memref<48x1024xf32, #tpu.memory_space<vmem>>) target(%dma_start3A_206 : memref<48x1024xf32, #tpu.memory_space<hbm>>) target_semaphore(%arg9 : memref<!tpu.dma_semaphore, #tpu.memory_space<semaphore_mem>>)
    %add3A_207 = arith.constant 192 : i32
    %add3A_208 = arith.addi %mul3A_32, %add3A_207 : i32
    %dma_wait3A_209 = arith.constant 0 : i32
    %dma_wait3A_210 = tpu.memref_slice %arg3[%select_n3A, %add3A_208, %dma_wait3A_209] : memref<4x2304x1024xf32, #tpu.memory_space<hbm>> -> memref<1x48x1024xf32, #tpu.memory_space<hbm>>
    %dma_wait3A_211 = tpu.memref_squeeze %dma_wait3A_210 : memref<1x48x1024xf32, #tpu.memory_space<hbm>> -> memref<48x1024xf32, #tpu.memory_space<hbm>>
    %dma_wait3A_212 = arith.constant 0 : i32
    %dma_wait3A_213 = tpu.memref_slice %arg3[%select_n3A, %add3A_208, %dma_wait3A_212] : memref<4x2304x1024xf32, #tpu.memory_space<hbm>> -> memref<1x48x1024xf32, #tpu.memory_space<hbm>>
    %dma_wait3A_214 = tpu.memref_squeeze %dma_wait3A_213 : memref<1x48x1024xf32, #tpu.memory_space<hbm>> -> memref<48x1024xf32, #tpu.memory_space<hbm>>
    tpu.wait_dma2 semaphore(%arg8 : memref<!tpu.dma_semaphore, #tpu.memory_space<semaphore_mem>>) src(%arg4 : memref<48x1024xf32, #tpu.memory_space<vmem>>) dst(%dma_wait3A_214 : memref<48x1024xf32, #tpu.memory_space<hbm>>)
    %add3A_215 = arith.constant 240 : i32
    %add3A_216 = arith.addi %mul3A_32, %add3A_215 : i32
    %dma_wait3A_217 = arith.constant 0 : i32
    %dma_wait3A_218 = tpu.memref_slice %arg3[%select_n3A, %add3A_216, %dma_wait3A_217] : memref<4x2304x1024xf32, #tpu.memory_space<hbm>> -> memref<1x48x1024xf32, #tpu.memory_space<hbm>>
    %dma_wait3A_219 = tpu.memref_squeeze %dma_wait3A_218 : memref<1x48x1024xf32, #tpu.memory_space<hbm>> -> memref<48x1024xf32, #tpu.memory_space<hbm>>
    %dma_wait3A_220 = arith.constant 0 : i32
    %dma_wait3A_221 = tpu.memref_slice %arg3[%select_n3A, %add3A_216, %dma_wait3A_220] : memref<4x2304x1024xf32, #tpu.memory_space<hbm>> -> memref<1x48x1024xf32, #tpu.memory_space<hbm>>
    %dma_wait3A_222 = tpu.memref_squeeze %dma_wait3A_221 : memref<1x48x1024xf32, #tpu.memory_space<hbm>> -> memref<48x1024xf32, #tpu.memory_space<hbm>>
    tpu.wait_dma2 semaphore(%arg9 : memref<!tpu.dma_semaphore, #tpu.memory_space<semaphore_mem>>) src(%arg5 : memref<48x1024xf32, #tpu.memory_space<vmem>>) dst(%dma_wait3A_222 : memref<48x1024xf32, #tpu.memory_space<hbm>>)
    return
  }
}

module attributes {stable_mosaic.version = 14 : i64} {
  func.func @_tc_body(%arg0: i32, %arg1: memref<4x288x1024xf32, #tpu.memory_space<vmem>>, %arg2: memref<8x1024xf32, #tpu.memory_space<vmem>>, %arg3: memref<3x1024xf32, #tpu.memory_space<vmem>>, %arg4: memref<12x1024xf32, #tpu.memory_space<vmem>>, %arg5: memref<4x288x1024xf32, #tpu.memory_space<vmem>>) attributes {dimension_semantics = [#tpu.dimension_semantics<arbitrary>], iteration_bounds = array<i64: 8>, scalar_prefetch = 0 : i64, scratch_operands = 0 : i64, tpu.core_type = #tpu.core_type<tc>, window_params = [{transform_indices = @transform_0, window_bounds = array<i64: 4, 288, 1024>}, {transform_indices = @transform_1, window_bounds = array<i64: 8, 1024>}, {pipeline_mode = #tpu.pipeline_mode<synchronous>, transform_indices = @transform_2, window_bounds = array<i64: 3, 1024>}, {pipeline_mode = #tpu.pipeline_mode<synchronous>, transform_indices = @transform_3, window_bounds = array<i64: 12, 1024>}, {transform_indices = @transform_4, window_bounds = array<i64: 4, 288, 1024>}]} {
    %get3A = arith.constant 0 : index
    %get3A_0 = arith.constant 0 : index
    %get3A_1 = arith.constant 0 : index
    %get3A_2 = vector.load %arg1[%get3A, %get3A_0, %get3A_1] : memref<4x288x1024xf32, #tpu.memory_space<vmem>>, vector<4x288x1024xf32>
    %get3A_3 = arith.constant 0 : index
    %get3A_4 = arith.constant 0 : index
    %get3A_5 = vector.load %arg2[%get3A_3, %get3A_4] : memref<8x1024xf32, #tpu.memory_space<vmem>>, vector<8x1024xf32>
    %get3A_6 = arith.constant 0 : index
    %get3A_7 = arith.constant 0 : index
    %get3A_8 = vector.load %arg3[%get3A_6, %get3A_7] : memref<3x1024xf32, #tpu.memory_space<vmem>>, vector<3x1024xf32>
    %get3A_9 = arith.constant 0 : index
    %get3A_10 = arith.constant 0 : index
    %get3A_11 = vector.load %arg4[%get3A_9, %get3A_10] : memref<12x1024xf32, #tpu.memory_space<vmem>>, vector<12x1024xf32>
    %broadcast_in_dim3A = vector.shape_cast %get3A_8 : vector<3x1024xf32> to vector<3x1x1024xf32>
    %broadcast_in_dim3A_12 = vector.broadcast %broadcast_in_dim3A : vector<3x1x1024xf32> to vector<3x12x1024xf32>
    %reshape3A = vector.shape_cast %broadcast_in_dim3A_12 : vector<3x12x1024xf32> to vector<36x1024xf32>
    %tile3A = tpu.concatenate %get3A_11, %get3A_11, %get3A_11 in 0 : vector<12x1024xf32>, vector<12x1024xf32>, vector<12x1024xf32> -> vector<36x1024xf32>
    %add3A = arith.addf %reshape3A, %tile3A : vector<36x1024xf32>
    %broadcast_in_dim3A_13 = vector.shape_cast %get3A_5 : vector<8x1024xf32> to vector<8x1x1024xf32>
    %broadcast_in_dim3A_14 = vector.shape_cast %add3A : vector<36x1024xf32> to vector<1x36x1024xf32>
    %add3A_15 = vector.broadcast %broadcast_in_dim3A_13 : vector<8x1x1024xf32> to vector<8x36x1024xf32>
    %add3A_16 = vector.broadcast %broadcast_in_dim3A_14 : vector<1x36x1024xf32> to vector<8x36x1024xf32>
    %add3A_17 = arith.addf %add3A_15, %add3A_16 : vector<8x36x1024xf32>
    %reshape3A_18 = vector.shape_cast %add3A_17 : vector<8x36x1024xf32> to vector<288x1024xf32>
    %broadcast_in_dim3A_19 = vector.shape_cast %reshape3A_18 : vector<288x1024xf32> to vector<1x288x1024xf32>
    %add3A_20 = vector.broadcast %broadcast_in_dim3A_19 : vector<1x288x1024xf32> to vector<4x288x1024xf32>
    %add3A_21 = arith.addf %get3A_2, %add3A_20 : vector<4x288x1024xf32>
    %swap3A = arith.constant 0 : index
    %swap3A_22 = arith.constant 0 : index
    %swap3A_23 = arith.constant 0 : index
    %swap3A_24 = vector.load %arg5[%swap3A, %swap3A_22, %swap3A_23] : memref<4x288x1024xf32, #tpu.memory_space<vmem>>, vector<4x288x1024xf32>
    tpu.vector_store %arg5[%swap3A, %swap3A_22, %swap3A_23], %add3A_21 {strides = array<i32>} : memref<4x288x1024xf32, #tpu.memory_space<vmem>>, vector<4x288x1024xf32>,
    return
  }
  func.func @transform_0(%arg0: i32) -> (i32, i32, i32) {
    %c0_i32 = arith.constant 0 : i32
    %c0_i32_0 = arith.constant 0 : i32
    %c0_i32_1 = arith.constant 0 : i32
    return %c0_i32, %arg0, %c0_i32_0 : i32, i32, i32
  }
  func.func @transform_1(%arg0: i32) -> (i32, i32) {
    %c0_i32 = arith.constant 0 : i32
    %c0_i32_0 = arith.constant 0 : i32
    return %arg0, %c0_i32 : i32, i32
  }
  func.func @transform_2(%arg0: i32) -> (i32, i32) {
    %c0_i32 = arith.constant 0 : i32
    %c0_i32_0 = arith.constant 0 : i32
    %c0_i32_1 = arith.constant 0 : i32
    return %c0_i32, %c0_i32_0 : i32, i32
  }
  func.func @transform_3(%arg0: i32) -> (i32, i32) {
    %c0_i32 = arith.constant 0 : i32
    %c0_i32_0 = arith.constant 0 : i32
    %c0_i32_1 = arith.constant 0 : i32
    return %c0_i32, %c0_i32_0 : i32, i32
  }
  func.func @transform_4(%arg0: i32) -> (i32, i32, i32) {
    %c0_i32 = arith.constant 0 : i32
    %c0_i32_0 = arith.constant 0 : i32
    %c0_i32_1 = arith.constant 0 : i32
    return %c0_i32, %arg0, %c0_i32_0 : i32, i32, i32
  }
}

</mosaic_0001>

<sc_bundles>
// kernel: kernel.4.cloned.1.call-start
scs
__scs_entry_jumppad:
0x0: {  	(pc) =	sbr.rel $0x88, $3  }
0x1: {  	(tag) =	ssettag $0x0;
	lr =	simm.s32 $0x1  }
0x2: {  	[smem:$0x3F9D] =	sst lr;
	_ =	strace $0xD0000000  }
0x3: {  	_ = 	snop  }
0x4: {  	_ = 	snop  }
0x5: {  	_ = 	snop  }
0x6: {  	_ = 	snop  }
0x7: {  	_ = 	snop  }
__scs_overlays_trampoline_lowered:
0x8: {  	[smem:$0x3FAC] =	sst s0  }
0x9: {  	[smem:$0x3FAD] =	sst s1  }
0xa: {  	[smem:$0x3FAE] =	sst s2  }
0xb: {  	[smem:$0x3FAF] =	sst s3  }
0xc: {  	[smem:$0x3FB0] =	sst s4  }
0xd: {  	[smem:$0x3FB1] =	sst s5  }
0xe: {  	[smem:$0x3FB2] =	sst s6  }
0xf: {  	[smem:$0x3FB3] =	sst s7  }
0x10: {  	[smem:$0x3FB4] =	sst s8  }
0x11: {  	[smem:$0x3FB5] =	sst s9;
	s0 =	simm.s32 @!p0 $0x0  }
0x12: {  	s1 =	sld [smem:$0x3F9B];
	s0 =	simm.s32 @p0 $0x1  }
0x13: {  	[smem:$0x3FB6] =	sst s0;
	s0 =	simm.s32 @!p1 $0x0  }
0x14: {  	s2 =	sld [smem:$0x3F9A];
	s0 =	simm.s32 @p1 $0x1  }
0x15: {  	[smem:$0x3FB7] =	sst s0;
	s0 =	simm.s32 @!p2 $0x0  }
0x16: {  	s3 =	sld [smem:$0x3FDB];
	s0 =	simm.s32 @p2 $0x1  }
0x17: {  	s4 =	simm.s32 $0x1BF5;
	[smem:$0x3FB9] =	sst s0  }
0x18: {  	s0 =	sld [smem:$0x3F9C];
	_ =	swait.ge [sflag:s4], $0x0  }
0x19: {  	s7 =	sld [smem:$0x3F9D]  }
0x1a: {  	s8 =	sadd.s32 $0xFFFFE003, lr  }
0x1b: {  	s9 =	sadd.s32 $0xFFFFFEF7, lr;
	s5 =	simm.s32 $0xFFFFFFFF;
	p2 =	slt.u32 s8, $0xFFFFF086  }
0x1c: {  	p1 =	slt.u32 s9, $0xF7A;
	s5 =	simm.s32 @!p2 $0x0  }
0x1d: {  	s5 =	simm.s32 @p1 $0x1;
	p0 =	seq.s32 s7, s2  }
0x1e: {  	s7 =	smul.u32 @!p0 $0xF7A, s2;
	p2 =	seq.s32 @!p0 s5, $0x0  }
0x1f: {  	s9 =	smul.u32 $0xF7A, s1;
	s8 =	simm.s32 @!p0 $0x1BF5;
	p2 =	por !p2, p0  }
0x20: {  	[sflag:s8] =	ssyncset.s32 @!p0 $0xFFFFF086;
	s6 =	sadd.s32 @!p0 s3, s7;
	s7 =	simm.s32 @!p0 $0x108  }
0x21: {  	s3 =	sadd.s32 s3, s9;
	s6 =	sadd.s32 @!p0 $0x88, s6;
	s7 =	simm.s32 @p2 $0x1082  }
0x22: {  	[simem:s7], [sflag:s8] =	dma.local @!p0 [hbm:s6], $0xF7A  }
0x23: {  	s9 =	sor.u32 $0xD0000000, s2;
	s6 =	simm.s32 $0x108;
	_ =	swait.ge @!p0 [sflag:s8], $0x0  }
0x24: {  	s3 =	sadd.s32 $0x88, s3;
	s6 =	simm.s32 @!p1 $0x1082;
	[sflag:s4] =	ssyncset.s32 $0xFFFFF086  }
0x25: {  	[simem:s6], [sflag:s4] =	dma.local [hbm:s3], $0xF7A  }
0x26: {  	[smem:$0x3F9D] =	sst s1;
	(tag) =	ssettag s2;
	_ =	strace s9  }
0x27: {  	s1 =	sld [smem:$0x3FAD]  }
0x28: {  	s2 =	sld [smem:$0x3FAE]  }
0x29: {  	s4 =	sld [smem:$0x3FB0]  }
0x2a: {  	p0 =	seq.s32 s5, $0x0;
	s5 =	sld [smem:$0x3FB1]  }
0x2b: {  	s6 =	sld [smem:$0x3FB2]  }
0x2c: {  	s7 =	sld [smem:$0x3FB3]  }
0x2d: {  	s3 =	simm.s32 $0x108;
	s8 =	sld [smem:$0x3FB4]  }
0x2e: {  	s3 =	simm.s32 @!p0 $0x1082;
	s9 =	sld [smem:$0x3FB5]  }
0x2f: {  	lr =	sadd.s32 s0, s3;
	s0 =	sld [smem:$0x3FAC]  }
0x30: {  	s3 =	sld [smem:$0x3FAF]  }
0x31: {  	[smem:$0x3FB8] =	sst s10  }
0x32: {  	s10 =	sld [smem:$0x3FB6];
	_ =	sdelay $0x3  }
0x33: {  	p0 =	seq.s32 s10, $0x1;
	s10 =	sld [smem:$0x3FB8];
	_ =	sdelay $0x3  }
0x34: {  	[smem:$0x3FB8] =	sst s10  }
0x35: {  	s10 =	sld [smem:$0x3FB7];
	_ =	sdelay $0x3  }
0x36: {  	p1 =	seq.s32 s10, $0x1;
	s10 =	sld [smem:$0x3FB8];
	_ =	sdelay $0x3  }
0x37: {  	[smem:$0x3FB8] =	sst s10  }
0x38: {  	s10 =	sld [smem:$0x3FB9]  }
0x39: {  	_ = 	snop;
	(pc) =	sbr.ind lr, $3  }
0x3a: {  	_ = 	snop  }
0x3b: {  	_ = 	snop  }
0x3c: {  	p2 =	seq.s32 s10, $0x1;
	s10 =	sld [smem:$0x3FB8]  }
0x3d: {  	_ =	shalt  }
0x3e: {  	_ =	shalt  }
0x3f: {  	_ =	shalt  }
0x40: {  	_ =	shalt  }
0x41: {  	_ =	shalt  }
0x42: {  	_ =	shalt  }
0x43: {  	_ =	shalt  }
0x44: {  	_ =	shalt  }
0x45: {  	_ =	shalt  }
0x46: {  	_ =	shalt  }
0x47: {  	_ =	shalt  }
0x48: {  	_ =	shalt  }
0x49: {  	_ =	shalt  }
0x4a: {  	_ =	shalt  }
0x4b: {  	_ =	shalt  }
0x4c: {  	_ =	shalt  }
0x4d: {  	_ =	shalt  }
0x4e: {  	_ =	shalt  }
0x4f: {  	_ =	shalt  }
0x50: {  	_ =	shalt  }
0x51: {  	_ =	shalt  }
0x52: {  	_ =	shalt  }
0x53: {  	_ =	shalt  }
0x54: {  	_ =	shalt  }
0x55: {  	_ =	shalt  }
0x56: {  	_ =	shalt  }
0x57: {  	_ =	shalt  }
0x58: {  	_ =	shalt  }
0x59: {  	_ =	shalt  }
0x5a: {  	_ =	shalt  }
0x5b: {  	_ =	shalt  }
0x5c: {  	_ =	shalt  }
0x5d: {  	_ =	shalt  }
0x5e: {  	_ =	shalt  }
0x5f: {  	_ =	shalt  }
0x60: {  	_ =	shalt  }
0x61: {  	_ =	shalt  }
0x62: {  	_ =	shalt  }
0x63: {  	_ =	shalt  }
0x64: {  	_ =	shalt  }
0x65: {  	_ =	shalt  }
0x66: {  	_ =	shalt  }
0x67: {  	_ =	shalt  }
0x68: {  	_ =	shalt  }
0x69: {  	_ =	shalt  }
0x6a: {  	_ =	shalt  }
0x6b: {  	_ =	shalt  }
0x6c: {  	_ =	shalt  }
0x6d: {  	_ =	shalt  }
0x6e: {  	_ =	shalt  }
0x6f: {  	_ =	shalt  }
0x70: {  	_ =	shalt  }
0x71: {  	_ =	shalt  }
0x72: {  	_ =	shalt  }
0x73: {  	_ =	shalt  }
0x74: {  	_ =	shalt  }
0x75: {  	_ =	shalt  }
0x76: {  	_ =	shalt  }
0x77: {  	_ =	shalt  }
0x78: {  	_ =	shalt  }
0x79: {  	_ =	shalt  }
0x7a: {  	_ =	shalt  }
0x7b: {  	_ =	shalt  }
0x7c: {  	_ =	shalt  }
0x7d: {  	_ =	shalt  }
0x7e: {  	_ =	shalt  }
0x7f: {  	_ =	shalt  }
0x80: {  	_ =	shalt  }
0x81: {  	_ =	shalt  }
0x82: {  	_ =	shalt  }
0x83: {  	_ =	shalt  }
0x84: {  	_ =	shalt  }
0x85: {  	_ =	shalt  }
0x86: {  	_ =	shalt  }
0x87: {  	_ =	shalt  }
.Lfunc_end0:
.L_simem_size_0:
called_computation_lowered:
.L_overlay_start_0:
0x88: {  	s2 =	sld [smem:$0x3FD9]  }
0x89: {  	s3 =	sld [smem:$0x3FFE];
	_ =	sdelay $0x1  }
0x8a: {  	s1 =	srdreg.scid  }
0x8b: {  	s0 =	sand.u32 $0x1, s1  }
0x8c: {  	s15 =	sshll.u32 s0, $0xA;
	s2 =	sadd.s32 s3, s2  }
0x8d: {  	s2 =	sadd.s32 s2, s15  }
0x8e: {  	[smem:$0x3FC4] =	sst s2  }
0x8f: {  	_ = 	snop  }
0x90: {  	s2 =	sld [smem:$0x3FD0];
	_ =	sdelay $0x2  }
0x91: {  	s4 =	simm.s32 $0xA;
	s5 =	simm.s32 $0x10;
	s16 =	sld [smem:$0x3FC9]  }
0x92: {  	[smem:s5], [sflag:s4] =	dma.local [hbm:s2], $0x1  }
0x93: {  	_ =	swait.eq [sflag:s4], $0x1  }
0x94: {  	[sflag:s4] =	ssyncset.done $0x0  }
0x95: {  	[sflag:s4] =	ssyncadd.s32 $0xFFFFFFFF  }
0x96: {  	s17 =	sld [smem:$0x11];
	(tm) =	ssettm $0x1  }
0x97: {  	s18 =	sld [smem:$0x3FFB];
	_ =	sdelay $0x3  }
0x98: {  	_ =	strace s18  }
0x99: {  	s4 =	sld [smem:$0x3FFC];
	_ =	sdelay $0x3  }
0x9a: {  	_ =	strace s4  }
0x9b: {  	s4 =	sld [smem:$0x3FFD];
	_ =	sdelay $0x3  }
0x9c: {  	_ =	strace s4  }
0x9d: {  	_ =	strace $0x8FFFFFFF  }
0x9e: {  	s19 =	sld [smem:$0x3FDB];
	_ =	sdelay $0x1  }
0x9f: {  	s20 =	simm.s32 $_scs_section_size  }
0xa0: {  	s6 =	simm.s32 $_size__tile_overlayer_lowered;
	s7 =	simm.s32 $_tile_overlayer_lowered  }
0xa1: {  	s23 =	simm.s32 $0x1BFF;
	s22 =	sshll.u32 s7, $0x1;
	s4 =	sadd.s32 s20, s19  }
0xa2: {  	s8 =	simm.s32 $0x0;
	s21 =	sshll.u32 s6, $0x1;
	s6 =	sadd.s32 s22, s4  }
0xa3: {  	[timem:s8], [sflag:s23] =	dma.local [hbm:s6], s21  }
0xa4: {  	_ =	swait.ge [sflag:s23], s21  }
0xa5: {  	s5 =	ssub.s32 $0x0, s21;
	[sflag:s23] =	ssyncset.done $0x0  }
0xa6: {  	[sflag:s23] =	ssyncadd.s32 s5;
	_ =	sdelay $0x1  }
0xa7: {  	s24 =	simm.s32 $0x1B8B  }
0xa8: {  	_ =	swait.ge [sflag:s24], $0x1  }
0xa9: {  	[sflag:s24] =	ssyncset.done $0x0  }
0xaa: {  	s25 =	simm.s32 $0x1B8E;
	[sflag:s24] =	ssyncadd.s32 $0xFFFFFFFF  }
0xab: {  	s26 =	simm.s32 $execute0_lowered;
	[smem:$0x3FD2] =	sst s25  }
0xac: {  	s5 =	sshll.u32 s26, $0x1;
	_ =	strace $0x80000046;
	[dreg:$0x1] =	wrdreg $0xFFFFFFFF  }
0xad: {  	s28 =	simm.s32 $_size_execute0_lowered;
	s4 =	sadd.s32 s4, s5;
	[dreg:$0x0] =	wrdreg $0x0  }
0xae: {  	s5 =	sshll.u32 s28, $0x1;
	[dreg:$0x2] =	wrdreg s4  }
0xaf: {  	[dreg:$0x3] =	wrdreg s5  }
0xb0: {  	[dreg:$0x4] =	wrdreg $0xC0  }
0xb1: {  	_ =	task [dreg:s8], $0x5FFFF  }
0xb2: {  	[dreg:$0x1] =	wrdreg $0xFFFFFFFF  }
0xb3: {  	[dreg:$0x0] =	wrdreg $0x60  }
0xb4: {  	[dreg:$0x2] =	wrdreg s16  }
0xb5: {  	[dreg:$0x3] =	wrdreg s17  }
0xb6: {  	[dreg:$0x4] =	wrdreg $0x9  }
0xb7: {  	_ =	task.clear_ibuf [dreg:s8], $0x5FFFF;
	_ =	strace $0x90000046  }
0xb8: {  	s29 =	simm.s32 $0x9;
	_ =	strace $0x80000048  }
0xb9: {  	_ =	swait.ge [sflag:s29], $0x1  }
0xba: {  	[sflag:s29] =	ssyncadd.s32 $0xFFFFFFFF  }
0xbb: {  	_ =	strace $0x90000048  }
0xbc: {  	_ =	sfence  }
0xbd: {  	s30 =	sld [smem:$0x0];
	_ =	sdelay $0x2  }
0xbe: {  	s31 =	sshll.u32 s1, $0xD;
	s1 =	sshrl.u32 s1, $0x2  }
0xbf: {  	s3 =	sand.u32 $0x4000, s31;
	s1 =	sadd.s32 s1, s30  }
0xc0: {  	s0 =	sor.u32 s3, s0;
	s1 =	sshll.u32 s1, $0x11  }
0xc1: {  	s0 =	sor.u32 s1, s0  }
0xc2: {  	s0 =	sadd.s32 $0x8F2B, s0  }
0xc3: {  	[sflag:s0] =	ssyncadd.remote.s32 $0x1  }
0xc4: {  	_ =	sfence.sel $0xFFFF  }
0xc5: {  	[dreg:$0x0] =	wrdreg $0xFFFFFFFF;
	(pc) =	sbr.abs _section_cstart, $3  }
0xc6: {  	[dreg:$0x1] =	wrdreg $0xFFFFFFFF  }
0xc7: {  	_ =	task.clear_ibuf [dreg:s8], $0x2FFFF;
	_ =	strace $0x9FFFFFFF  }
0xc8: {  	(tm) =	ssettm $0x7FFFFFFF  }
0xc9: {  	_ =	shalt  }
tec
execute0_lowered:
.L_overlay_start_1:
0x0: {  	(tag) =	ssettag $0x1  }
0x1: {  	s0 =	stileid.u32  }
0x2: {  	s1 =	srdreg.scid;
	s2 =	sshll.u32 s0, $0x1  }
0x3: {  	s19 =	sand.u32 $0x1, s1;
	s30 =	sshrl.u32 s0, $0x2;
	s2 =	sand.u32 $0x6, s2  }
0x4: {  	s3 =	smul.u32 $0x240000, s30;
	s2 =	sor.u32 s19, s2  }
0x5: {  	s18 =	rddreg [dreg:$0x0];
	s4 =	smul.u32 $0x48000, s2  }
0x6: {  	s20 =	rddreg [dreg:$0x1]  }
0x7: {  	s1 =	rddreg [dreg:$0x2];
	s2 =	simm.s32 $0x0;
	s3 =	sadd.s32 s3, s4  }
0x8: {  	[smem:$0x7FF] =	sst s2;
	s21 =	sshrl.u32 s3, $0x3  }
0x9: {  	_ =	strace $0x80000047;
	s4 =	simm.s32 $0x1;
	s3 =	sadd.s32 s18, s21  }
0xa: {  	[tilespmem:s2], [sflag:$0x1] =	stream.linear.gather [hbm4b:s3+s2], $0xC000, $0x38;
	[tilespmem:$0x18000] =	vst v63  }
0xb: {  	_ =	swait.ge [sflag:s4], $0xC000  }
0xc: {  	[sflag:s4] =	ssyncset.done $0x0  }
0xd: {  	s5 =	sadd.s32 s20, s21;
	s9 =	sadd.s32 $0x1800, s21;
	[sflag:s4] =	ssyncadd.s32 $0xFFFF4000  }
0xe: {  	[hbm4b:s5+s2] =	stream.linear.scatter [tilespmem:s2], [sflag:$0x3], $0xC000, $0x38;
	[tilespmem:$0x18000] =	vst v63  }
0xf: {  	s7 =	simm.s32 $0xC000;
	s8 =	simm.s32 $0x2;
	s6 =	sadd.s32 s18, s9  }
0x10: {  	[tilespmem:s7], [sflag:$0x2] =	stream.linear.gather [hbm4b:s6+s2], $0xC000, $0x38;
	[tilespmem:$0x18000] =	vst v63  }
0x11: {  	_ =	swait.ge [sflag:s8], $0xC000  }
0x12: {  	[sflag:s8] =	ssyncset.done $0x0  }
0x13: {  	s10 =	simm.s32 $0x3;
	s9 =	sadd.s32 s20, s9;
	[sflag:s8] =	ssyncadd.s32 $0xFFFF4000  }
0x14: {  	[hbm4b:s9+s2] =	stream.linear.scatter [tilespmem:s7], [sflag:$0x4], $0xC000, $0x38;
	[tilespmem:$0x18000] =	vst v63  }
0x15: {  	_ =	swait.ge [sflag:s10], $0xC000  }
0x16: {  	s12 =	sadd.s32 $0x3000, s21;
	[sflag:s10] =	ssyncset.done $0x0  }
0x17: {  	s11 =	sadd.s32 s18, s12;
	[sflag:s10] =	ssyncadd.s32 $0xFFFF4000  }
0x18: {  	[tilespmem:s2], [sflag:$0x1] =	stream.linear.gather [hbm4b:s11+s2], $0xC000, $0x38;
	[tilespmem:$0x18000] =	vst v63  }
0x19: {  	_ =	swait.ge [sflag:s4], $0xC000  }
0x1a: {  	[sflag:s4] =	ssyncset.done $0x0  }
0x1b: {  	s13 =	sadd.s32 s20, s12;
	s12 =	simm.s32 $0x4;
	[sflag:s4] =	ssyncadd.s32 $0xFFFF4000  }
0x1c: {  	[hbm4b:s13+s2] =	stream.linear.scatter [tilespmem:s2], [sflag:$0x3], $0xC000, $0x38;
	[tilespmem:$0x18000] =	vst v63  }
0x1d: {  	_ =	swait.ge [sflag:s12], $0xC000  }
0x1e: {  	s15 =	sadd.s32 $0x4800, s21;
	[sflag:s12] =	ssyncset.done $0x0  }
0x1f: {  	s14 =	sadd.s32 s18, s15;
	[sflag:s12] =	ssyncadd.s32 $0xFFFF4000  }
0x20: {  	[tilespmem:s7], [sflag:$0x2] =	stream.linear.gather [hbm4b:s14+s2], $0xC000, $0x38;
	[tilespmem:$0x18000] =	vst v63  }
0x21: {  	_ =	swait.ge [sflag:s8], $0xC000  }
0x22: {  	[sflag:s8] =	ssyncset.done $0x0  }
0x23: {  	s15 =	sadd.s32 s20, s15;
	[sflag:s8] =	ssyncadd.s32 $0xFFFF4000  }
0x24: {  	[hbm4b:s15+s2] =	stream.linear.scatter [tilespmem:s7], [sflag:$0x4], $0xC000, $0x38;
	[tilespmem:$0x18000] =	vst v63  }
0x25: {  	_ =	swait.ge [sflag:s10], $0xC000  }
0x26: {  	s17 =	sadd.s32 $0x6000, s21;
	[sflag:s10] =	ssyncset.done $0x0  }
0x27: {  	s16 =	sadd.s32 s18, s17;
	[sflag:s10] =	ssyncadd.s32 $0xFFFF4000  }
0x28: {  	[tilespmem:s2], [sflag:$0x1] =	stream.linear.gather [hbm4b:s16+s2], $0xC000, $0x38;
	[tilespmem:$0x18000] =	vst v63  }
0x29: {  	_ =	swait.ge [sflag:s4], $0xC000  }
0x2a: {  	[sflag:s4] =	ssyncset.done $0x0  }
0x2b: {  	s17 =	sadd.s32 s20, s17;
	[sflag:s4] =	ssyncadd.s32 $0xFFFF4000  }
0x2c: {  	[hbm4b:s17+s2] =	stream.linear.scatter [tilespmem:s2], [sflag:$0x3], $0xC000, $0x38;
	[tilespmem:$0x18000] =	vst v63  }
0x2d: {  	_ =	swait.ge [sflag:s12], $0xC000  }
0x2e: {  	s22 =	ssub.s32 $0x2, s19;
	s21 =	sadd.s32 $0x7800, s21;
	[sflag:s12] =	ssyncset.done $0x0  }
0x2f: {  	s31 =	sshrl.u32 s22, $0x1;
	s18 =	sadd.s32 s18, s21;
	[sflag:s12] =	ssyncadd.s32 $0xFFFF4000  }
0x30: {  	[tilespmem:s7], [sflag:$0x2] =	stream.linear.gather [hbm4b:s18+s2], $0xC000, $0x38;
	[tilespmem:$0x18000] =	vst v63  }
0x31: {  	s19 =	sadd.s32 s20, s21;
	s20 =	ssub.s32 s22, s31;
	_ =	swait.ge [sflag:s8], $0xC000  }
0x32: {  	s20 =	smax.u32 s20, $0x1;
	[sflag:s8] =	ssyncset.done $0x0  }
0x33: {  	p0 =	sne.s32 s20, $0x1;
	[sflag:s8] =	ssyncadd.s32 $0xFFFF4000  }
0x34: {  	[hbm4b:s19+s2] =	stream.linear.scatter [tilespmem:s7], [sflag:$0x4], $0xC000, $0x38;
	[tilespmem:$0x18000] =	vst v63  }
.Ltmp0:
0x35: {  	_ =	swait.ge [sflag:s10], $0xC000;
	(pc) =	sbr.rel @!p0 .LBB2_2-.Ltmp0, $4  }
0x36: {  	[sflag:s10] =	ssyncset.done $0x0  }
0x37: {  	[sflag:s10] =	ssyncadd.s32 $0xFFFF4000  }
0x38: {  	_ =	swait.ge [sflag:s12], $0xC000  }
0x39: {  	s20 =	sadd.s32 $0xFFFFFFFF, s20;
	[sflag:s12] =	ssyncset.done $0x0  }
.LBB2_1:
0x3a: {  	p0 =	sne.s32 s20, $0x1;
	s20 =	sadd.s32 $0xFFFFFFFF, s20;
	[sflag:s12] =	ssyncadd.s32 $0xFFFF4000  }
0x3b: {  	[tilespmem:s2], [sflag:$0x1] =	stream.linear.gather [hbm4b:s3+s2], $0xC000, $0x38;
	[tilespmem:$0x18000] =	vst v63  }
0x3c: {  	_ =	swait.ge [sflag:s4], $0xC000  }
0x3d: {  	[sflag:s4] =	ssyncset.done $0x0  }
0x3e: {  	[sflag:s4] =	ssyncadd.s32 $0xFFFF4000  }
0x3f: {  	[hbm4b:s5+s2] =	stream.linear.scatter [tilespmem:s2], [sflag:$0x3], $0xC000, $0x38;
	[tilespmem:$0x18000] =	vst v63  }
0x40: {  	_ = 	snop  }
0x41: {  	[tilespmem:s7], [sflag:$0x2] =	stream.linear.gather [hbm4b:s6+s2], $0xC000, $0x38;
	[tilespmem:$0x18000] =	vst v63  }
0x42: {  	_ =	swait.ge [sflag:s8], $0xC000  }
0x43: {  	[sflag:s8] =	ssyncset.done $0x0  }
0x44: {  	[sflag:s8] =	ssyncadd.s32 $0xFFFF4000  }
0x45: {  	[hbm4b:s9+s2] =	stream.linear.scatter [tilespmem:s7], [sflag:$0x4], $0xC000, $0x38;
	[tilespmem:$0x18000] =	vst v63  }
0x46: {  	_ =	swait.ge [sflag:s10], $0xC000  }
0x47: {  	[sflag:s10] =	ssyncset.done $0x0  }
0x48: {  	[sflag:s10] =	ssyncadd.s32 $0xFFFF4000  }
0x49: {  	[tilespmem:s2], [sflag:$0x1] =	stream.linear.gather [hbm4b:s11+s2], $0xC000, $0x38;
	[tilespmem:$0x18000] =	vst v63  }
0x4a: {  	_ =	swait.ge [sflag:s4], $0xC000  }
0x4b: {  	[sflag:s4] =	ssyncset.done $0x0  }
0x4c: {  	[sflag:s4] =	ssyncadd.s32 $0xFFFF4000  }
0x4d: {  	[hbm4b:s13+s2] =	stream.linear.scatter [tilespmem:s2], [sflag:$0x3], $0xC000, $0x38;
	[tilespmem:$0x18000] =	vst v63  }
0x4e: {  	_ =	swait.ge [sflag:s12], $0xC000  }
0x4f: {  	[sflag:s12] =	ssyncset.done $0x0  }
0x50: {  	[sflag:s12] =	ssyncadd.s32 $0xFFFF4000  }
0x51: {  	[tilespmem:s7], [sflag:$0x2] =	stream.linear.gather [hbm4b:s14+s2], $0xC000, $0x38;
	[tilespmem:$0x18000] =	vst v63  }
0x52: {  	_ =	swait.ge [sflag:s8], $0xC000  }
0x53: {  	[sflag:s8] =	ssyncset.done $0x0  }
0x54: {  	[sflag:s8] =	ssyncadd.s32 $0xFFFF4000  }
0x55: {  	[hbm4b:s15+s2] =	stream.linear.scatter [tilespmem:s7], [sflag:$0x4], $0xC000, $0x38;
	[tilespmem:$0x18000] =	vst v63  }
0x56: {  	_ =	swait.ge [sflag:s10], $0xC000  }
0x57: {  	[sflag:s10] =	ssyncset.done $0x0  }
0x58: {  	[sflag:s10] =	ssyncadd.s32 $0xFFFF4000  }
0x59: {  	[tilespmem:s2], [sflag:$0x1] =	stream.linear.gather [hbm4b:s16+s2], $0xC000, $0x38;
	[tilespmem:$0x18000] =	vst v63  }
0x5a: {  	_ =	swait.ge [sflag:s4], $0xC000  }
0x5b: {  	[sflag:s4] =	ssyncset.done $0x0  }
0x5c: {  	[sflag:s4] =	ssyncadd.s32 $0xFFFF4000  }
0x5d: {  	[hbm4b:s17+s2] =	stream.linear.scatter [tilespmem:s2], [sflag:$0x3], $0xC000, $0x38;
	[tilespmem:$0x18000] =	vst v63  }
0x5e: {  	_ =	swait.ge [sflag:s12], $0xC000  }
0x5f: {  	[sflag:s12] =	ssyncset.done $0x0  }
0x60: {  	[sflag:s12] =	ssyncadd.s32 $0xFFFF4000  }
0x61: {  	[tilespmem:s7], [sflag:$0x2] =	stream.linear.gather [hbm4b:s18+s2], $0xC000, $0x38;
	[tilespmem:$0x18000] =	vst v63  }
0x62: {  	_ =	swait.ge [sflag:s8], $0xC000  }
0x63: {  	[sflag:s8] =	ssyncset.done $0x0  }
0x64: {  	[sflag:s8] =	ssyncadd.s32 $0xFFFF4000  }
0x65: {  	[hbm4b:s19+s2] =	stream.linear.scatter [tilespmem:s7], [sflag:$0x4], $0xC000, $0x38;
	[tilespmem:$0x18000] =	vst v63  }
.Ltmp1:
0x66: {  	_ =	swait.ge [sflag:s10], $0xC000;
	(pc) =	sbr.rel @p0 .LBB2_1-.Ltmp1, $4  }
0x67: {  	[sflag:s10] =	ssyncset.done $0x0  }
0x68: {  	[sflag:s10] =	ssyncadd.s32 $0xFFFF4000  }
0x69: {  	_ =	swait.ge [sflag:s12], $0xC000  }
0x6a: {  	[sflag:s12] =	ssyncset.done $0x0  }
.LBB2_2:
0x6b: {  	[sflag:s12] =	ssyncadd.s32 $0xFFFF4000  }
0x6c: {  	_ =	sfence.sel $0x180000  }
0x6d: {  	[bflag:$0x0] =	sbarrier.arrive $0xFFFF  }
0x6e: {  	p0 =	sne.s32 s0, $0x0;
	_ =	strace $0x90000047  }
0x6f: {  	s0 =	sadd.s32 @!p0 $0x100000, s1;
	[bflag:$0x2] =	sbarrier.arrive $0xFFFF  }
0x70: {  	[sflag:s0] =	ssyncadd.tile.s32 @!p0 $0x1;
	_ =	shalt  }
.Lfunc_end2:
_tile_overlayer_lowered:
.L_overlay_start_2:
0x71: {  	(tag) =	ssettag $0x2  }
0x72: {  	s0 =	rddreg [dreg:$0x0];
	s2 =	stileid.u32  }
0x73: {  	s1 =	rddreg [dreg:$0x1];
	p0 =	sne.s32 s2, $0x0  }
0x74: {  	s3 =	rddreg [dreg:$0x2];
	[bflag:$0x3] =	sbarrier.arrive $0xFFFF;
	s2 =	simm.s32 @!p0 $0x1C05  }
0x75: {  	[timem:s3], [sflag:s2] =	dma.local @!p0 [hbm:s0], s1  }
0x76: {  	s0 =	simm.s32 @!p0 $0x5  }
0x77: {  	_ =	swait.ge @!p0 [sflag:s0], s1  }
0x78: {  	s1 =	ssub.s32 @!p0 $0x0, s1;
	[sflag:s0] =	ssyncset.done @!p0 $0x0  }
0x79: {  	[sflag:s0] =	ssyncadd.s32 @!p0 s1  }
0x7a: {  	[bflag:$0x3] =	sbarrier.arrive $0xFFFF  }
0x7b: {  	_ =	shalt  }

</sc_bundles>
